<compile_context>
chip_gen: v7x
topology: tpu7x:2x2x1
jax: 0.10.2.dev20260603
libtpu: 0.0.44.dev20260713+nightly
codegen_flags: <defaults>
</compile_context>

<pallas_src>
import functools

import jax
import jax.numpy as jnp
from jax import lax
from jax.experimental import pallas as pl
from jax.experimental.pallas import tpu as pltpu
from jax.experimental.pallas import tpu_sc as plsc

_P1, _P2 = 778, 3000
_BPP = 2


def _split3_bf16(t):
    hi = t.astype(jnp.bfloat16)
    r1 = t - hi.astype(jnp.float32)
    mid = r1.astype(jnp.bfloat16)
    lo = (r1 - mid.astype(jnp.float32)).astype(jnp.bfloat16)
    return hi, mid, lo


def _nn_body(x_ref, y_ref, n_ref, y2xu_ref, x2y_ref, yidx_ref):
  del n_ref
  for s in range(_BPP):
    xb = x_ref[s]
    yt = y_ref[s]

    d = None
    for c in range(3):
        diff = yt[c : c + 1, :] - xb[:, c : c + 1]
        sq = diff * diff
        d = sq if d is None else d + sq

    row_min = jnp.min(d, axis=1, keepdims=True)
    x2y_ref[s] = jnp.sqrt(row_min)

    col_min = jnp.min(d, axis=0, keepdims=True)
    onehot = jnp.where(d == col_min, 1.0, 0.0).astype(jnp.bfloat16)

    ii = jax.lax.broadcasted_iota(jnp.int32, (_P1, 1), 0).astype(jnp.float32)
    ones = jnp.ones((_P1, 1), jnp.float32)
    table = jnp.concatenate([ii, ones, ii * ii], axis=1)
    dims = (((0,), (0,)), ((), ()))
    gath = None
    for limb in _split3_bf16(table):
        part = jax.lax.dot_general(
            limb, onehot, dims, preferred_element_type=jnp.float32
        )
        gath = part if gath is None else gath + part

    ssum = gath[0:1]
    cnt = gath[1:2]
    q = gath[2:3]
    tie_lo = 0.5 * (ssum - jnp.sqrt(jnp.maximum(2.0 * q - ssum * ssum, 0.0)))
    yidx = jnp.where(cnt == 1.0, ssum, tie_lo)
    yidx_ref[s] = yidx.astype(jnp.int32)
    y2xu_ref[s] = jnp.sqrt(col_min)


def _tc_stage(x, yt, x_normals):
    B = x.shape[0]
    return pl.pallas_call(
        _nn_body,
        grid=(B // _BPP,),
        in_specs=[
            pl.BlockSpec((_BPP, _P1, 3), lambda b: (b, 0, 0)),
            pl.BlockSpec((_BPP, 3, _P2), lambda b: (b, 0, 0)),
            pl.BlockSpec((_BPP, _P1, 3), lambda b: (b, 0, 0)),
        ],
        out_specs=[
            pl.BlockSpec((_BPP, 1, _P2), lambda b: (b, 0, 0)),
            pl.BlockSpec((_BPP, _P1, 1), lambda b: (b, 0, 0)),
            pl.BlockSpec((_BPP, 1, _P2), lambda b: (b, 0, 0)),
        ],
        out_shape=[
            jax.ShapeDtypeStruct((B, 1, _P2), jnp.float32),
            jax.ShapeDtypeStruct((B, _P1, 1), jnp.float32),
            jax.ShapeDtypeStruct((B, 1, _P2), jnp.int32),
        ],
    )(x, yt, x_normals)


_NGRP = (_P2 + 15) // 16


def _sc_sign_stage(tab, ytf, u, idx):
    info = plsc.get_sparse_core_info()
    nc = info.num_cores
    mesh = plsc.VectorSubcoreMesh(core_axis_name="c", subcore_axis_name="s")

    @functools.partial(
        pl.kernel,
        mesh=mesh,
        compiler_params=pltpu.CompilerParams(needs_layout_passes=False),
        out_type=jax.ShapeDtypeStruct((32 * _P2,), jnp.float32),
        scratch_types=[
            pltpu.VMEM((784 * 8,), jnp.float32),
            pltpu.VMEM((_P2,), jnp.float32),
            pltpu.VMEM((_P2,), jnp.float32),
            pltpu.VMEM((_P2,), jnp.float32),
            pltpu.VMEM((_P2,), jnp.float32),
            pltpu.VMEM((_P2,), jnp.int32),
            pltpu.VMEM((_P2,), jnp.float32),
        ],
    )
    def k(tab_hbm, ytf_hbm, u_hbm, idx_hbm, out_hbm,
          tab_v, y0_v, y1_v, y2_v, u_v, idx_v, out_v):
        wid = lax.axis_index("s") * nc + lax.axis_index("c")
        pltpu.sync_copy(tab_hbm.at[wid], tab_v)
        pltpu.sync_copy(ytf_hbm.at[pl.ds(wid * 3 * _P2 + 0 * _P2, _P2)], y0_v)
        pltpu.sync_copy(ytf_hbm.at[pl.ds(wid * 3 * _P2 + 1 * _P2, _P2)], y1_v)
        pltpu.sync_copy(ytf_hbm.at[pl.ds(wid * 3 * _P2 + 2 * _P2, _P2)], y2_v)
        pltpu.sync_copy(u_hbm.at[pl.ds(wid * _P2, _P2)], u_v)
        pltpu.sync_copy(idx_hbm.at[pl.ds(wid * _P2, _P2)], idx_v)

        def body(i, _):
            st = lax.min(i * 16, _P2 - 16)
            iv = idx_v[pl.ds(st, 16)] * 8
            g = [plsc.load_gather(tab_v, [iv + c]) for c in range(6)]
            y0 = y0_v[pl.ds(st, 16)]
            y1 = y1_v[pl.ds(st, 16)]
            y2 = y2_v[pl.ds(st, 16)]
            dot = g[0] * (y0 - g[3]) + g[1] * (y1 - g[4]) + g[2] * (y2 - g[5])
            out_v[pl.ds(st, 16)] = u_v[pl.ds(st, 16)] * jnp.sign(dot)
            return _

        lax.fori_loop(0, _NGRP, body, None)
        pltpu.sync_copy(out_v, out_hbm.at[pl.ds(wid * _P2, _P2)])

    return k(tab, ytf, u, idx)


@functools.partial(jax.jit, static_argnames=())
def kernel(x, y, x_normals):
    B = x.shape[0]
    yt = jnp.transpose(y, (0, 2, 1))

    y2xu, x2y_s, yidx = _tc_stage(x, yt, x_normals)

    tab = jnp.concatenate(
        [x_normals, x, jnp.zeros((B, _P1, 2), jnp.float32)], axis=2
    )
    tab = jnp.pad(tab, ((0, 0), (0, 784 - _P1), (0, 0)))

    y2x_signed = _sc_sign_stage(
        tab.reshape(B, 784 * 8),
        yt.reshape(B * 3 * _P2),
        y2xu.reshape(B * _P2),
        yidx.reshape(B * _P2),
    ).reshape(B, _P2)

    return (
        y2x_signed,
        x2y_s[:, :, 0],
        yidx[:, 0, :],
    )

# --- scband reference (transcript-rebuilt; emitter-appended) ---
"""Pipeline reference for scband-grasp-cvaeloss-80006650790046 (READ-ONLY COPY).

The authoritative reference and input builder live on the scoring server;
editing this copy changes nothing except your own understanding.
"""

import jax, jax.numpy as jnp
import numpy as np


def setup_inputs(seed: int = 0) -> dict:
    key = jax.random.key(seed)
    k1, k2, k3 = jax.random.split(key, 3)
    # x: MANO right-hand vertices [B, 778, 3]
    x = jax.random.normal(k1, (32, 778, 3), dtype=jnp.float32)
    # y: sampled object surface points [B, 3000, 3]
    y = jax.random.normal(k2, (32, 3000, 3), dtype=jnp.float32)
    # x_normals: per-vertex hand surface normals [B, 778, 3] (unit length)
    n = jax.random.normal(k3, (32, 778, 3), dtype=jnp.float32)
    x_normals = n / (jnp.linalg.norm(n, axis=-1, keepdims=True) + 1e-8)
    return {"x": x, "y": y, "x_normals": x_normals}


def reference(x, y, x_normals):
    # Faithful jax translation of GraspCVAELoss.point2point_signed with x_normals given
    # (the bidirectional ChamferDistance nearest-neighbor retrieval + signed distance).
    N, P1, D = x.shape
    P2 = y.shape[1]
    # brute-force pairwise squared distances [B, P1, P2]
    d2 = jnp.sum((x[:, :, None, :] - y[:, None, :, :]) ** 2, axis=-1)
    # nearest neighbor of each x vertex among y points, and vice versa
    xidx_near = jnp.argmin(d2, axis=2)  # [B, P1] -> indices into y
    yidx_near = jnp.argmin(d2, axis=1)  # [B, P2] -> indices into x
    # gather nearest points (x_near = y.gather(1, xidx), y_near = x.gather(1, yidx))
    x_near = jnp.take_along_axis(y, xidx_near[..., None], axis=1)  # [B, P1, 3]
    y_near = jnp.take_along_axis(x, yidx_near[..., None], axis=1)  # [B, P2, 3]
    x2y = x - x_near
    y2x = y - y_near
    # signed o2h distance using hand normals gathered at NN indices
    y_nn = jnp.take_along_axis(x_normals, yidx_near[..., None], axis=1)  # [B, P2, 3]
    in_out = jnp.sign(jnp.sum(y_nn * y2x, axis=-1))  # bmm of [*,1,3]x[*,3,1] -> sign
    y2x_signed = jnp.linalg.norm(y2x, axis=2) * in_out  # [B, P2]
    # y_normals is None in loss_cnet usage -> unsigned h2o distance
    x2y_signed = jnp.linalg.norm(x2y, axis=2)  # [B, P1]
    return (y2x_signed, x2y_signed, yidx_near)

if __name__ == "__main__":
    import jax
    _d = setup_inputs()
    print(jax.jit(kernel)(*tuple(_d.values())))

</pallas_src>

<mosaic_0001>
#map = affine_map<(d0, d1) -> (0, 0)>
#map1 = affine_map<(d0, d1) -> (0)>
module attributes {stable_mosaic.version = 14 : i64} {
  func.func @k(%arg0: i32, %arg1: i32, %arg2: memref<32x6272xf32, #tpu.memory_space<hbm>>, %arg3: memref<288000xf32, #tpu.memory_space<hbm>>, %arg4: memref<96000xf32, #tpu.memory_space<hbm>>, %arg5: memref<96000xi32, #tpu.memory_space<hbm>>, %arg6: memref<96000xf32, #tpu.memory_space<hbm>>, %arg7: memref<6272xf32, #tpu.memory_space<vmem>>, %arg8: memref<3000xf32, #tpu.memory_space<vmem>>, %arg9: memref<3000xf32, #tpu.memory_space<vmem>>, %arg10: memref<3000xf32, #tpu.memory_space<vmem>>, %arg11: memref<3000xf32, #tpu.memory_space<vmem>>, %arg12: memref<3000xi32, #tpu.memory_space<vmem>>, %arg13: memref<3000xf32, #tpu.memory_space<vmem>>) attributes {dimension_semantics = [#tpu.dimension_semantics<core_parallel>, #tpu.dimension_semantics<subcore_parallel>], iteration_bounds = array<i64: 2, 16>, scalar_prefetch = 0 : i64, scratch_operands = 7 : i64, tpu.core_type = #tpu.core_type<sc_vector_subcore>, window_params = [{transform_indices = #map}, {transform_indices = #map1}, {transform_indices = #map1}, {transform_indices = #map1}, {transform_indices = #map1}]} {
    %mul3A = arith.constant 2 : i32
    %mul3A_0 = arith.muli %arg1, %mul3A : i32
    %add3A = arith.addi %mul3A_0, %arg0 : i32
    "tpu.region"() ({
      %run_scoped3A = tpu.sem_alloc : memref<!tpu.dma_semaphore, #tpu.memory_space<semaphore_mem>>
      %dma_start3A = arith.constant 0 : i32
      %dma_start3A_29 = tpu.memref_slice %arg2[%add3A, %dma_start3A] : memref<32x6272xf32, #tpu.memory_space<hbm>> -> memref<1x6272xf32, #tpu.memory_space<hbm>>
      %dma_start3A_30 = tpu.memref_squeeze %dma_start3A_29 : memref<1x6272xf32, #tpu.memory_space<hbm>> -> memref<6272xf32, #tpu.memory_space<hbm>>
      %dma_start3A_31 = arith.constant 0 : i32
      %dma_start3A_32 = tpu.memref_slice %arg2[%add3A, %dma_start3A_31] : memref<32x6272xf32, #tpu.memory_space<hbm>> -> memref<1x6272xf32, #tpu.memory_space<hbm>>
      %dma_start3A_33 = tpu.memref_squeeze %dma_start3A_32 : memref<1x6272xf32, #tpu.memory_space<hbm>> -> memref<6272xf32, #tpu.memory_space<hbm>>
      tpu.enqueue_dma source(%dma_start3A_33 : memref<6272xf32, #tpu.memory_space<hbm>>) target(%arg7 : memref<6272xf32, #tpu.memory_space<vmem>>) target_semaphore(%run_scoped3A : memref<!tpu.dma_semaphore, #tpu.memory_space<semaphore_mem>>)
      %dma_wait3A = arith.constant 0 : i32
      %dma_wait3A_34 = tpu.memref_slice %arg2[%add3A, %dma_wait3A] : memref<32x6272xf32, #tpu.memory_space<hbm>> -> memref<1x6272xf32, #tpu.memory_space<hbm>>
      %dma_wait3A_35 = tpu.memref_squeeze %dma_wait3A_34 : memref<1x6272xf32, #tpu.memory_space<hbm>> -> memref<6272xf32, #tpu.memory_space<hbm>>
      %dma_wait3A_36 = arith.constant 0 : i32
      %dma_wait3A_37 = tpu.memref_slice %arg2[%add3A, %dma_wait3A_36] : memref<32x6272xf32, #tpu.memory_space<hbm>> -> memref<1x6272xf32, #tpu.memory_space<hbm>>
      %dma_wait3A_38 = tpu.memref_squeeze %dma_wait3A_37 : memref<1x6272xf32, #tpu.memory_space<hbm>> -> memref<6272xf32, #tpu.memory_space<hbm>>
      tpu.wait_dma2 semaphore(%run_scoped3A : memref<!tpu.dma_semaphore, #tpu.memory_space<semaphore_mem>>) src(%dma_wait3A_38 : memref<6272xf32, #tpu.memory_space<hbm>>) dst(%arg7 : memref<6272xf32, #tpu.memory_space<vmem>>)
      tpu.yield
    }) : () -> ()
    %mul3A_1 = arith.constant 3 : i32
    %mul3A_2 = arith.muli %add3A, %mul3A_1 : i32
    %mul3A_3 = arith.constant 3000 : i32
    %mul3A_4 = arith.muli %mul3A_2, %mul3A_3 : i32
    %add3A_5 = arith.constant 0 : i32
    %add3A_6 = arith.addi %mul3A_4, %add3A_5 : i32
    "tpu.region"() ({
      %run_scoped3A = tpu.sem_alloc : memref<!tpu.dma_semaphore, #tpu.memory_space<semaphore_mem>>
      %dma_start3A = tpu.memref_slice %arg3[%add3A_6] : memref<288000xf32, #tpu.memory_space<hbm>> -> memref<3000xf32, #tpu.memory_space<hbm>>
      %dma_start3A_29 = tpu.memref_slice %arg3[%add3A_6] : memref<288000xf32, #tpu.memory_space<hbm>> -> memref<3000xf32, #tpu.memory_space<hbm>>
      tpu.enqueue_dma source(%dma_start3A_29 : memref<3000xf32, #tpu.memory_space<hbm>>) target(%arg8 : memref<3000xf32, #tpu.memory_space<vmem>>) target_semaphore(%run_scoped3A : memref<!tpu.dma_semaphore, #tpu.memory_space<semaphore_mem>>)
      %dma_wait3A = tpu.memref_slice %arg3[%add3A_6] : memref<288000xf32, #tpu.memory_space<hbm>> -> memref<3000xf32, #tpu.memory_space<hbm>>
      %dma_wait3A_30 = tpu.memref_slice %arg3[%add3A_6] : memref<288000xf32, #tpu.memory_space<hbm>> -> memref<3000xf32, #tpu.memory_space<hbm>>
      tpu.wait_dma2 semaphore(%run_scoped3A : memref<!tpu.dma_semaphore, #tpu.memory_space<semaphore_mem>>) src(%dma_wait3A_30 : memref<3000xf32, #tpu.memory_space<hbm>>) dst(%arg8 : memref<3000xf32, #tpu.memory_space<vmem>>)
      tpu.yield
    }) : () -> ()
    %mul3A_7 = arith.constant 3 : i32
    %mul3A_8 = arith.muli %add3A, %mul3A_7 : i32
    %mul3A_9 = arith.constant 3000 : i32
    %mul3A_10 = arith.muli %mul3A_8, %mul3A_9 : i32
    %add3A_11 = arith.constant 3000 : i32
    %add3A_12 = arith.addi %mul3A_10, %add3A_11 : i32
    "tpu.region"() ({
      %run_scoped3A = tpu.sem_alloc : memref<!tpu.dma_semaphore, #tpu.memory_space<semaphore_mem>>
      %dma_start3A = tpu.memref_slice %arg3[%add3A_12] : memref<288000xf32, #tpu.memory_space<hbm>> -> memref<3000xf32, #tpu.memory_space<hbm>>
      %dma_start3A_29 = tpu.memref_slice %arg3[%add3A_12] : memref<288000xf32, #tpu.memory_space<hbm>> -> memref<3000xf32, #tpu.memory_space<hbm>>
      tpu.enqueue_dma source(%dma_start3A_29 : memref<3000xf32, #tpu.memory_space<hbm>>) target(%arg9 : memref<3000xf32, #tpu.memory_space<vmem>>) target_semaphore(%run_scoped3A : memref<!tpu.dma_semaphore, #tpu.memory_space<semaphore_mem>>)
      %dma_wait3A = tpu.memref_slice %arg3[%add3A_12] : memref<288000xf32, #tpu.memory_space<hbm>> -> memref<3000xf32, #tpu.memory_space<hbm>>
      %dma_wait3A_30 = tpu.memref_slice %arg3[%add3A_12] : memref<288000xf32, #tpu.memory_space<hbm>> -> memref<3000xf32, #tpu.memory_space<hbm>>
      tpu.wait_dma2 semaphore(%run_scoped3A : memref<!tpu.dma_semaphore, #tpu.memory_space<semaphore_mem>>) src(%dma_wait3A_30 : memref<3000xf32, #tpu.memory_space<hbm>>) dst(%arg9 : memref<3000xf32, #tpu.memory_space<vmem>>)
      tpu.yield
    }) : () -> ()
    %mul3A_13 = arith.constant 3 : i32
    %mul3A_14 = arith.muli %add3A, %mul3A_13 : i32
    %mul3A_15 = arith.constant 3000 : i32
    %mul3A_16 = arith.muli %mul3A_14, %mul3A_15 : i32
    %add3A_17 = arith.constant 6000 : i32
    %add3A_18 = arith.addi %mul3A_16, %add3A_17 : i32
    "tpu.region"() ({
      %run_scoped3A = tpu.sem_alloc : memref<!tpu.dma_semaphore, #tpu.memory_space<semaphore_mem>>
      %dma_start3A = tpu.memref_slice %arg3[%add3A_18] : memref<288000xf32, #tpu.memory_space<hbm>> -> memref<3000xf32, #tpu.memory_space<hbm>>
      %dma_start3A_29 = tpu.memref_slice %arg3[%add3A_18] : memref<288000xf32, #tpu.memory_space<hbm>> -> memref<3000xf32, #tpu.memory_space<hbm>>
      tpu.enqueue_dma source(%dma_start3A_29 : memref<3000xf32, #tpu.memory_space<hbm>>) target(%arg10 : memref<3000xf32, #tpu.memory_space<vmem>>) target_semaphore(%run_scoped3A : memref<!tpu.dma_semaphore, #tpu.memory_space<semaphore_mem>>)
      %dma_wait3A = tpu.memref_slice %arg3[%add3A_18] : memref<288000xf32, #tpu.memory_space<hbm>> -> memref<3000xf32, #tpu.memory_space<hbm>>
      %dma_wait3A_30 = tpu.memref_slice %arg3[%add3A_18] : memref<288000xf32, #tpu.memory_space<hbm>> -> memref<3000xf32, #tpu.memory_space<hbm>>
      tpu.wait_dma2 semaphore(%run_scoped3A : memref<!tpu.dma_semaphore, #tpu.memory_space<semaphore_mem>>) src(%dma_wait3A_30 : memref<3000xf32, #tpu.memory_space<hbm>>) dst(%arg10 : memref<3000xf32, #tpu.memory_space<vmem>>)
      tpu.yield
    }) : () -> ()
    %mul3A_19 = arith.constant 3000 : i32
    %mul3A_20 = arith.muli %add3A, %mul3A_19 : i32
    "tpu.region"() ({
      %run_scoped3A = tpu.sem_alloc : memref<!tpu.dma_semaphore, #tpu.memory_space<semaphore_mem>>
      %dma_start3A = tpu.memref_slice %arg4[%mul3A_20] : memref<96000xf32, #tpu.memory_space<hbm>> -> memref<3000xf32, #tpu.memory_space<hbm>>
      %dma_start3A_29 = tpu.memref_slice %arg4[%mul3A_20] : memref<96000xf32, #tpu.memory_space<hbm>> -> memref<3000xf32, #tpu.memory_space<hbm>>
      tpu.enqueue_dma source(%dma_start3A_29 : memref<3000xf32, #tpu.memory_space<hbm>>) target(%arg11 : memref<3000xf32, #tpu.memory_space<vmem>>) target_semaphore(%run_scoped3A : memref<!tpu.dma_semaphore, #tpu.memory_space<semaphore_mem>>)
      %dma_wait3A = tpu.memref_slice %arg4[%mul3A_20] : memref<96000xf32, #tpu.memory_space<hbm>> -> memref<3000xf32, #tpu.memory_space<hbm>>
      %dma_wait3A_30 = tpu.memref_slice %arg4[%mul3A_20] : memref<96000xf32, #tpu.memory_space<hbm>> -> memref<3000xf32, #tpu.memory_space<hbm>>
      tpu.wait_dma2 semaphore(%run_scoped3A : memref<!tpu.dma_semaphore, #tpu.memory_space<semaphore_mem>>) src(%dma_wait3A_30 : memref<3000xf32, #tpu.memory_space<hbm>>) dst(%arg11 : memref<3000xf32, #tpu.memory_space<vmem>>)
      tpu.yield
    }) : () -> ()
    %mul3A_21 = arith.constant 3000 : i32
    %mul3A_22 = arith.muli %add3A, %mul3A_21 : i32
    "tpu.region"() ({
      %run_scoped3A = tpu.sem_alloc : memref<!tpu.dma_semaphore, #tpu.memory_space<semaphore_mem>>
      %dma_start3A = tpu.memref_slice %arg5[%mul3A_22] : memref<96000xi32, #tpu.memory_space<hbm>> -> memref<3000xi32, #tpu.memory_space<hbm>>
      %dma_start3A_29 = tpu.memref_slice %arg5[%mul3A_22] : memref<96000xi32, #tpu.memory_space<hbm>> -> memref<3000xi32, #tpu.memory_space<hbm>>
      tpu.enqueue_dma source(%dma_start3A_29 : memref<3000xi32, #tpu.memory_space<hbm>>) target(%arg12 : memref<3000xi32, #tpu.memory_space<vmem>>) target_semaphore(%run_scoped3A : memref<!tpu.dma_semaphore, #tpu.memory_space<semaphore_mem>>)
      %dma_wait3A = tpu.memref_slice %arg5[%mul3A_22] : memref<96000xi32, #tpu.memory_space<hbm>> -> memref<3000xi32, #tpu.memory_space<hbm>>
      %dma_wait3A_30 = tpu.memref_slice %arg5[%mul3A_22] : memref<96000xi32, #tpu.memory_space<hbm>> -> memref<3000xi32, #tpu.memory_space<hbm>>
      tpu.wait_dma2 semaphore(%run_scoped3A : memref<!tpu.dma_semaphore, #tpu.memory_space<semaphore_mem>>) src(%dma_wait3A_30 : memref<3000xi32, #tpu.memory_space<hbm>>) dst(%arg12 : memref<3000xi32, #tpu.memory_space<vmem>>)
      tpu.yield
    }) : () -> ()
    %scan3A = arith.constant 0 : i32
    %scan3A_23 = arith.constant 188 : i32
    %scan3A_24 = arith.addi %scan3A, %scan3A_23 : i32
    %scan3A_25 = arith.constant 1 : i32
    scf.for %scan3A_29 = %scan3A to %scan3A_24 step %scan3A_25  : i32 {
      %mul3A_30 = arith.constant 16 : i32
      %mul3A_31 = arith.muli %scan3A_29, %mul3A_30 : i32
      %min3A = arith.constant 2984 : i32
      %min3A_32 = arith.minsi %mul3A_31, %min3A : i32
      %get3A = arith.index_cast %min3A_32 : i32 to index
      %get3A_33 = tpu.vector_load %arg12[%get3A] {strides = array<i32>} : memref<3000xi32, #tpu.memory_space<vmem>>, vector<16xi32>,
      %mul3A_34 = arith.constant 8 : i32
      %mul3A_35 = vector.broadcast %mul3A_34 : i32 to vector<16xi32>
      %mul3A_36 = arith.muli %get3A_33, %mul3A_35 : vector<16xi32>
      %add3A_37 = arith.constant 0 : i32
      %add3A_38 = vector.broadcast %add3A_37 : i32 to vector<16xi32>
      %add3A_39 = arith.addi %mul3A_36, %add3A_38 : vector<16xi32>
      %gather3A = tpu.vector_load_idx %arg7[%add3A_39] : memref<6272xf32, #tpu.memory_space<vmem>>[vector<16xi32>], vector<16xf32>,
      %add3A_40 = arith.constant 1 : i32
      %add3A_41 = vector.broadcast %add3A_40 : i32 to vector<16xi32>
      %add3A_42 = arith.addi %mul3A_36, %add3A_41 : vector<16xi32>
      %gather3A_43 = tpu.vector_load_idx %arg7[%add3A_42] : memref<6272xf32, #tpu.memory_space<vmem>>[vector<16xi32>], vector<16xf32>,
      %add3A_44 = arith.constant 2 : i32
      %add3A_45 = vector.broadcast %add3A_44 : i32 to vector<16xi32>
      %add3A_46 = arith.addi %mul3A_36, %add3A_45 : vector<16xi32>
      %gather3A_47 = tpu.vector_load_idx %arg7[%add3A_46] : memref<6272xf32, #tpu.memory_space<vmem>>[vector<16xi32>], vector<16xf32>,
      %add3A_48 = arith.constant 3 : i32
      %add3A_49 = vector.broadcast %add3A_48 : i32 to vector<16xi32>
      %add3A_50 = arith.addi %mul3A_36, %add3A_49 : vector<16xi32>
      %gather3A_51 = tpu.vector_load_idx %arg7[%add3A_50] : memref<6272xf32, #tpu.memory_space<vmem>>[vector<16xi32>], vector<16xf32>,
      %add3A_52 = arith.constant 4 : i32
      %add3A_53 = vector.broadcast %add3A_52 : i32 to vector<16xi32>
      %add3A_54 = arith.addi %mul3A_36, %add3A_53 : vector<16xi32>
      %gather3A_55 = tpu.vector_load_idx %arg7[%add3A_54] : memref<6272xf32, #tpu.memory_space<vmem>>[vector<16xi32>], vector<16xf32>,
      %add3A_56 = arith.constant 5 : i32
      %add3A_57 = vector.broadcast %add3A_56 : i32 to vector<16xi32>
      %add3A_58 = arith.addi %mul3A_36, %add3A_57 : vector<16xi32>
      %gather3A_59 = tpu.vector_load_idx %arg7[%add3A_58] : memref<6272xf32, #tpu.memory_space<vmem>>[vector<16xi32>], vector<16xf32>,
      %get3A_60 = arith.index_cast %min3A_32 : i32 to index
      %get3A_61 = tpu.vector_load %arg8[%get3A_60] {strides = array<i32>} : memref<3000xf32, #tpu.memory_space<vmem>>, vector<16xf32>,
      %get3A_62 = arith.index_cast %min3A_32 : i32 to index
      %get3A_63 = tpu.vector_load %arg9[%get3A_62] {strides = array<i32>} : memref<3000xf32, #tpu.memory_space<vmem>>, vector<16xf32>,
      %get3A_64 = arith.index_cast %min3A_32 : i32 to index
      %get3A_65 = tpu.vector_load %arg10[%get3A_64] {strides = array<i32>} : memref<3000xf32, #tpu.memory_space<vmem>>, vector<16xf32>,
      %sub3A = arith.subf %get3A_61, %gather3A_51 : vector<16xf32>
      %mul3A_66 = arith.mulf %gather3A, %sub3A : vector<16xf32>
      %sub3A_67 = arith.subf %get3A_63, %gather3A_55 : vector<16xf32>
      %mul3A_68 = arith.mulf %gather3A_43, %sub3A_67 : vector<16xf32>
      %add3A_69 = arith.addf %mul3A_66, %mul3A_68 : vector<16xf32>
      %sub3A_70 = arith.subf %get3A_65, %gather3A_59 : vector<16xf32>
      %mul3A_71 = arith.mulf %gather3A_47, %sub3A_70 : vector<16xf32>
      %add3A_72 = arith.addf %add3A_69, %mul3A_71 : vector<16xf32>
      %get3A_73 = arith.index_cast %min3A_32 : i32 to index
      %get3A_74 = tpu.vector_load %arg11[%get3A_73] {strides = array<i32>} : memref<3000xf32, #tpu.memory_space<vmem>>, vector<16xf32>,
      %sign3A = tpu.bitcast %add3A_72 : vector<16xf32> -> vector<16xi32>
      %sign3A_75 = arith.constant -2147483648 : i32
      %sign3A_76 = vector.broadcast %sign3A_75 : i32 to vector<16xi32>
      %sign3A_77 = arith.andi %sign3A, %sign3A_76 : vector<16xi32>
      %sign3A_78 = arith.constant 1065353216 : i32
      %sign3A_79 = vector.broadcast %sign3A_78 : i32 to vector<16xi32>
      %sign3A_80 = arith.ori %sign3A_79, %sign3A_77 : vector<16xi32>
      %sign3A_81 = tpu.bitcast %sign3A_80 : vector<16xi32> -> vector<16xf32>
      %sign3A_82 = math.absf %add3A_72 : vector<16xf32>
      %sign3A_83 = arith.constant 0.000000e+00 : f32
      %sign3A_84 = vector.broadcast %sign3A_83 : f32 to vector<16xf32>
      %sign3A_85 = arith.cmpf ogt, %sign3A_82, %sign3A_84 : vector<16xf32>
      %sign3A_86 = arith.select %sign3A_85, %sign3A_81, %add3A_72 : vector<16xi1>, vector<16xf32>
      %mul3A_87 = arith.mulf %get3A_74, %sign3A_86 : vector<16xf32>
      %swap3A = arith.index_cast %min3A_32 : i32 to index
      %swap3A_88 = tpu.vector_load %arg13[%swap3A] {strides = array<i32>} : memref<3000xf32, #tpu.memory_space<vmem>>, vector<16xf32>,
      tpu.vector_store %arg13[%swap3A], %mul3A_87 {strides = array<i32>} : memref<3000xf32, #tpu.memory_space<vmem>>, vector<16xf32>,
    }
    %scan3A_26 = arith.constant 188 : i32
    %mul3A_27 = arith.constant 3000 : i32
    %mul3A_28 = arith.muli %add3A, %mul3A_27 : i32
    "tpu.region"() ({
      %run_scoped3A = tpu.sem_alloc : memref<!tpu.dma_semaphore, #tpu.memory_space<semaphore_mem>>
      %dma_start3A = tpu.memref_slice %arg6[%mul3A_28] : memref<96000xf32, #tpu.memory_space<hbm>> -> memref<3000xf32, #tpu.memory_space<hbm>>
      %dma_start3A_29 = tpu.memref_slice %arg6[%mul3A_28] : memref<96000xf32, #tpu.memory_space<hbm>> -> memref<3000xf32, #tpu.memory_space<hbm>>
      tpu.enqueue_dma source(%arg13 : memref<3000xf32, #tpu.memory_space<vmem>>) target(%dma_start3A_29 : memref<3000xf32, #tpu.memory_space<hbm>>) target_semaphore(%run_scoped3A : memref<!tpu.dma_semaphore, #tpu.memory_space<semaphore_mem>>)
      %dma_wait3A = tpu.memref_slice %arg6[%mul3A_28] : memref<96000xf32, #tpu.memory_space<hbm>> -> memref<3000xf32, #tpu.memory_space<hbm>>
      %dma_wait3A_30 = tpu.memref_slice %arg6[%mul3A_28] : memref<96000xf32, #tpu.memory_space<hbm>> -> memref<3000xf32, #tpu.memory_space<hbm>>
      tpu.wait_dma2 semaphore(%run_scoped3A : memref<!tpu.dma_semaphore, #tpu.memory_space<semaphore_mem>>) src(%arg13 : memref<3000xf32, #tpu.memory_space<vmem>>) dst(%dma_wait3A_30 : memref<3000xf32, #tpu.memory_space<hbm>>)
      tpu.yield
    }) : () -> ()
    return
  }
}

module attributes {stable_mosaic.version = 14 : i64} {
  func.func @_nn_body(%arg0: i32, %arg1: memref<2x778x3xf32, #tpu.memory_space<vmem>>, %arg2: memref<2x3x3000xf32, #tpu.memory_space<vmem>>, %arg3: memref<2x778x3xf32, #tpu.memory_space<vmem>>, %arg4: memref<2x1x3000xf32, #tpu.memory_space<vmem>>, %arg5: memref<2x778x1xf32, #tpu.memory_space<vmem>>, %arg6: memref<2x1x3000xi32, #tpu.memory_space<vmem>>) attributes {dimension_semantics = [#tpu.dimension_semantics<arbitrary>], iteration_bounds = array<i64: 16>, scalar_prefetch = 0 : i64, scratch_operands = 0 : i64, tpu.core_type = #tpu.core_type<tc>, window_params = [{transform_indices = @transform_0, window_bounds = array<i64: 2, 778, 3>}, {transform_indices = @transform_1, window_bounds = array<i64: 2, 3, 3000>}, {transform_indices = @transform_2, window_bounds = array<i64: 2, 778, 3>}, {transform_indices = @transform_3, window_bounds = array<i64: 2, 1, 3000>}, {transform_indices = @transform_4, window_bounds = array<i64: 2, 778, 1>}, {transform_indices = @transform_5, window_bounds = array<i64: 2, 1, 3000>}]} {
    %get3A = arith.constant 0 : index
    %get3A_0 = arith.constant 0 : index
    %get3A_1 = arith.constant 0 : index
    %get3A_2 = vector.load %arg1[%get3A, %get3A_0, %get3A_1] : memref<2x778x3xf32, #tpu.memory_space<vmem>>, vector<1x778x3xf32>
    %get3A_3 = vector.shape_cast %get3A_2 : vector<1x778x3xf32> to vector<778x3xf32>
    %get3A_4 = arith.constant 0 : index
    %get3A_5 = arith.constant 0 : index
    %get3A_6 = arith.constant 0 : index
    %get3A_7 = vector.load %arg2[%get3A_4, %get3A_5, %get3A_6] : memref<2x3x3000xf32, #tpu.memory_space<vmem>>, vector<1x3x3000xf32>
    %get3A_8 = vector.shape_cast %get3A_7 : vector<1x3x3000xf32> to vector<3x3000xf32>
    %slice3A = vector.extract_strided_slice %get3A_8 {offsets = [0, 0], sizes = [1, 3000], strides = [1, 1]} : vector<3x3000xf32> to vector<1x3000xf32>
    %slice3A_9 = vector.extract_strided_slice %get3A_3 {offsets = [0, 0], sizes = [778, 1], strides = [1, 1]} : vector<778x3xf32> to vector<778x1xf32>
    %sub3A = vector.broadcast %slice3A : vector<1x3000xf32> to vector<778x3000xf32>
    %sub3A_10 = vector.broadcast %slice3A_9 : vector<778x1xf32> to vector<778x3000xf32>
    %sub3A_11 = arith.subf %sub3A, %sub3A_10 : vector<778x3000xf32>
    %mul3A = arith.mulf %sub3A_11, %sub3A_11 : vector<778x3000xf32>
    %slice3A_12 = vector.extract_strided_slice %get3A_8 {offsets = [1, 0], sizes = [1, 3000], strides = [1, 1]} : vector<3x3000xf32> to vector<1x3000xf32>
    %slice3A_13 = vector.extract_strided_slice %get3A_3 {offsets = [0, 1], sizes = [778, 1], strides = [1, 1]} : vector<778x3xf32> to vector<778x1xf32>
    %sub3A_14 = vector.broadcast %slice3A_12 : vector<1x3000xf32> to vector<778x3000xf32>
    %sub3A_15 = vector.broadcast %slice3A_13 : vector<778x1xf32> to vector<778x3000xf32>
    %sub3A_16 = arith.subf %sub3A_14, %sub3A_15 : vector<778x3000xf32>
    %mul3A_17 = arith.mulf %sub3A_16, %sub3A_16 : vector<778x3000xf32>
    %add3A = arith.addf %mul3A, %mul3A_17 : vector<778x3000xf32>
    %slice3A_18 = vector.extract_strided_slice %get3A_8 {offsets = [2, 0], sizes = [1, 3000], strides = [1, 1]} : vector<3x3000xf32> to vector<1x3000xf32>
    %slice3A_19 = vector.extract_strided_slice %get3A_3 {offsets = [0, 2], sizes = [778, 1], strides = [1, 1]} : vector<778x3xf32> to vector<778x1xf32>
    %sub3A_20 = vector.broadcast %slice3A_18 : vector<1x3000xf32> to vector<778x3000xf32>
    %sub3A_21 = vector.broadcast %slice3A_19 : vector<778x1xf32> to vector<778x3000xf32>
    %sub3A_22 = arith.subf %sub3A_20, %sub3A_21 : vector<778x3000xf32>
    %mul3A_23 = arith.mulf %sub3A_22, %sub3A_22 : vector<778x3000xf32>
    %add3A_24 = arith.addf %add3A, %mul3A_23 : vector<778x3000xf32>
    %reduce_min3A = arith.constant dense<0x7F800000> : vector<778xf32>
    %reduce_min3A_25 = vector.multi_reduction <minimumf>, %add3A_24, %reduce_min3A [1] : vector<778x3000xf32> to vector<778xf32>
    %broadcast_in_dim3A = vector.shape_cast %reduce_min3A_25 : vector<778xf32> to vector<778x1xf32>
    %sqrt3A = math.sqrt %broadcast_in_dim3A : vector<778x1xf32>
    %swap3A = arith.constant 0 : index
    %swap3A_26 = arith.constant 0 : index
    %swap3A_27 = arith.constant 0 : index
    %swap3A_28 = vector.load %arg5[%swap3A, %swap3A_26, %swap3A_27] : memref<2x778x1xf32, #tpu.memory_space<vmem>>, vector<1x778x1xf32>
    %swap3A_29 = vector.shape_cast %swap3A_28 : vector<1x778x1xf32> to vector<778x1xf32>
    %swap3A_30 = vector.shape_cast %sqrt3A : vector<778x1xf32> to vector<1x778x1xf32>
    tpu.vector_store %arg5[%swap3A, %swap3A_26, %swap3A_27], %swap3A_30 {strides = array<i32>} : memref<2x778x1xf32, #tpu.memory_space<vmem>>, vector<1x778x1xf32>,
    %reduce_min3A_31 = arith.constant dense<0x7F800000> : vector<3000xf32>
    %reduce_min3A_32 = vector.multi_reduction <minimumf>, %add3A_24, %reduce_min3A_31 [0] : vector<778x3000xf32> to vector<3000xf32>
    %broadcast_in_dim3A_33 = vector.shape_cast %reduce_min3A_32 : vector<3000xf32> to vector<1x3000xf32>
    %eq3A = vector.broadcast %broadcast_in_dim3A_33 : vector<1x3000xf32> to vector<778x3000xf32>
    %eq3A_34 = arith.cmpf oeq, %add3A_24, %eq3A : vector<778x3000xf32>
    %jit3A = arith.constant 1.000000e+00 : f32
    %jit3A_35 = arith.constant 0.000000e+00 : f32
    %broadcast_in_dim3A_36 = vector.broadcast %jit3A : f32 to vector<778x3000xf32>
    %broadcast_in_dim3A_37 = vector.broadcast %jit3A_35 : f32 to vector<778x3000xf32>
    %select_n3A = arith.select %eq3A_34, %broadcast_in_dim3A_36, %broadcast_in_dim3A_37 : vector<778x3000xi1>, vector<778x3000xf32>
    %convert_element_type3A = arith.truncf %select_n3A : vector<778x3000xf32> to vector<778x3000xbf16>
    %iota3A = tpu.iota {dimensions = array<i32: 0>} : vector<778x1xi32>
    %convert_element_type3A_38 = arith.sitofp %iota3A : vector<778x1xi32> to vector<778x1xf32>
    %broadcast_in_dim3A_39 = arith.constant 1.000000e+00 : f32
    %broadcast_in_dim3A_40 = vector.broadcast %broadcast_in_dim3A_39 : f32 to vector<778x1xf32>
    %mul3A_41 = arith.mulf %convert_element_type3A_38, %convert_element_type3A_38 : vector<778x1xf32>
    %concatenate3A = tpu.concatenate %convert_element_type3A_38, %broadcast_in_dim3A_40, %mul3A_41 in 1 : vector<778x1xf32>, vector<778x1xf32>, vector<778x1xf32> -> vector<778x3xf32>
    %convert_element_type3A_42 = arith.truncf %concatenate3A : vector<778x3xf32> to vector<778x3xbf16>
    %convert_element_type3A_43 = arith.extf %convert_element_type3A_42 : vector<778x3xbf16> to vector<778x3xf32>
    %sub3A_44 = arith.subf %concatenate3A, %convert_element_type3A_43 : vector<778x3xf32>
    %convert_element_type3A_45 = arith.truncf %sub3A_44 : vector<778x3xf32> to vector<778x3xbf16>
    %convert_element_type3A_46 = arith.extf %convert_element_type3A_45 : vector<778x3xbf16> to vector<778x3xf32>
    %sub3A_47 = arith.subf %sub3A_44, %convert_element_type3A_46 : vector<778x3xf32>
    %convert_element_type3A_48 = arith.truncf %sub3A_47 : vector<778x3xf32> to vector<778x3xbf16>
    %dot_general3A = arith.constant dense<0.000000e+00> : vector<3x3000xf32>
    %dot_general3A_49 = tpu.matmul %convert_element_type3A_42, %convert_element_type3A, %dot_general3A {dimension_numbers = #tpu.dot_dimension_numbers<[0], [0], [1], [1], [0, 1, 1, 1], [], []>, transpose_lhs_hint = false} : vector<778x3xbf16>, vector<778x3000xbf16>, vector<3x3000xf32> -> vector<3x3000xf32>
    %dot_general3A_50 = arith.constant dense<0.000000e+00> : vector<3x3000xf32>
    %dot_general3A_51 = tpu.matmul %convert_element_type3A_45, %convert_element_type3A, %dot_general3A_50 {dimension_numbers = #tpu.dot_dimension_numbers<[0], [0], [1], [1], [0, 1, 1, 1], [], []>, transpose_lhs_hint = false} : vector<778x3xbf16>, vector<778x3000xbf16>, vector<3x3000xf32> -> vector<3x3000xf32>
    %add3A_52 = arith.addf %dot_general3A_49, %dot_general3A_51 : vector<3x3000xf32>
    %dot_general3A_53 = arith.constant dense<0.000000e+00> : vector<3x3000xf32>
    %dot_general3A_54 = tpu.matmul %convert_element_type3A_48, %convert_element_type3A, %dot_general3A_53 {dimension_numbers = #tpu.dot_dimension_numbers<[0], [0], [1], [1], [0, 1, 1, 1], [], []>, transpose_lhs_hint = false} : vector<778x3xbf16>, vector<778x3000xbf16>, vector<3x3000xf32> -> vector<3x3000xf32>
    %add3A_55 = arith.addf %add3A_52, %dot_general3A_54 : vector<3x3000xf32>
    %slice3A_56 = vector.extract_strided_slice %add3A_55 {offsets = [0, 0], sizes = [1, 3000], strides = [1, 1]} : vector<3x3000xf32> to vector<1x3000xf32>
    %slice3A_57 = vector.extract_strided_slice %add3A_55 {offsets = [1, 0], sizes = [1, 3000], strides = [1, 1]} : vector<3x3000xf32> to vector<1x3000xf32>
    %slice3A_58 = vector.extract_strided_slice %add3A_55 {offsets = [2, 0], sizes = [1, 3000], strides = [1, 1]} : vector<3x3000xf32> to vector<1x3000xf32>
    %mul3A_59 = arith.constant 2.000000e+00 : f32
    %mul3A_60 = vector.broadcast %mul3A_59 : f32 to vector<1x3000xf32>
    %mul3A_61 = arith.mulf %mul3A_60, %slice3A_58 : vector<1x3000xf32>
    %mul3A_62 = arith.mulf %slice3A_56, %slice3A_56 : vector<1x3000xf32>
    %sub3A_63 = arith.subf %mul3A_61, %mul3A_62 : vector<1x3000xf32>
    %max3A = arith.constant 0.000000e+00 : f32
    %max3A_64 = vector.broadcast %max3A : f32 to vector<1x3000xf32>
    %max3A_65 = arith.maximumf %sub3A_63, %max3A_64 : vector<1x3000xf32>
    %sqrt3A_66 = math.sqrt %max3A_65 : vector<1x3000xf32>
    %sub3A_67 = arith.subf %slice3A_56, %sqrt3A_66 : vector<1x3000xf32>
    %mul3A_68 = arith.constant 5.000000e-01 : f32
    %mul3A_69 = vector.broadcast %mul3A_68 : f32 to vector<1x3000xf32>
    %mul3A_70 = arith.mulf %mul3A_69, %sub3A_67 : vector<1x3000xf32>
    %eq3A_71 = arith.constant 1.000000e+00 : f32
    %eq3A_72 = vector.broadcast %eq3A_71 : f32 to vector<1x3000xf32>
    %eq3A_73 = arith.cmpf oeq, %slice3A_57, %eq3A_72 : vector<1x3000xf32>
    %select_n3A_74 = arith.select %eq3A_73, %slice3A_56, %mul3A_70 : vector<1x3000xi1>, vector<1x3000xf32>
    %convert_element_type3A_75 = arith.fptosi %select_n3A_74 : vector<1x3000xf32> to vector<1x3000xi32>
    %swap3A_76 = arith.constant 0 : index
    %swap3A_77 = arith.constant 0 : index
    %swap3A_78 = arith.constant 0 : index
    %swap3A_79 = vector.load %arg6[%swap3A_76, %swap3A_77, %swap3A_78] : memref<2x1x3000xi32, #tpu.memory_space<vmem>>, vector<1x1x3000xi32>
    %swap3A_80 = vector.shape_cast %swap3A_79 : vector<1x1x3000xi32> to vector<1x3000xi32>
    %swap3A_81 = vector.shape_cast %convert_element_type3A_75 : vector<1x3000xi32> to vector<1x1x3000xi32>
    tpu.vector_store %arg6[%swap3A_76, %swap3A_77, %swap3A_78], %swap3A_81 {strides = array<i32>} : memref<2x1x3000xi32, #tpu.memory_space<vmem>>, vector<1x1x3000xi32>,
    %sqrt3A_82 = math.sqrt %broadcast_in_dim3A_33 : vector<1x3000xf32>
    %swap3A_83 = arith.constant 0 : index
    %swap3A_84 = arith.constant 0 : index
    %swap3A_85 = arith.constant 0 : index
    %swap3A_86 = vector.load %arg4[%swap3A_83, %swap3A_84, %swap3A_85] : memref<2x1x3000xf32, #tpu.memory_space<vmem>>, vector<1x1x3000xf32>
    %swap3A_87 = vector.shape_cast %swap3A_86 : vector<1x1x3000xf32> to vector<1x3000xf32>
    %swap3A_88 = vector.shape_cast %sqrt3A_82 : vector<1x3000xf32> to vector<1x1x3000xf32>
    tpu.vector_store %arg4[%swap3A_83, %swap3A_84, %swap3A_85], %swap3A_88 {strides = array<i32>} : memref<2x1x3000xf32, #tpu.memory_space<vmem>>, vector<1x1x3000xf32>,
    %get3A_89 = arith.constant 1 : index
    %get3A_90 = arith.constant 0 : index
    %get3A_91 = arith.constant 0 : index
    %get3A_92 = vector.load %arg1[%get3A_89, %get3A_90, %get3A_91] : memref<2x778x3xf32, #tpu.memory_space<vmem>>, vector<1x778x3xf32>
    %get3A_93 = vector.shape_cast %get3A_92 : vector<1x778x3xf32> to vector<778x3xf32>
    %get3A_94 = arith.constant 1 : index
    %get3A_95 = arith.constant 0 : index
    %get3A_96 = arith.constant 0 : index
    %get3A_97 = vector.load %arg2[%get3A_94, %get3A_95, %get3A_96] : memref<2x3x3000xf32, #tpu.memory_space<vmem>>, vector<1x3x3000xf32>
    %get3A_98 = vector.shape_cast %get3A_97 : vector<1x3x3000xf32> to vector<3x3000xf32>
    %slice3A_99 = vector.extract_strided_slice %get3A_98 {offsets = [0, 0], sizes = [1, 3000], strides = [1, 1]} : vector<3x3000xf32> to vector<1x3000xf32>
    %slice3A_100 = vector.extract_strided_slice %get3A_93 {offsets = [0, 0], sizes = [778, 1], strides = [1, 1]} : vector<778x3xf32> to vector<778x1xf32>
    %sub3A_101 = vector.broadcast %slice3A_99 : vector<1x3000xf32> to vector<778x3000xf32>
    %sub3A_102 = vector.broadcast %slice3A_100 : vector<778x1xf32> to vector<778x3000xf32>
    %sub3A_103 = arith.subf %sub3A_101, %sub3A_102 : vector<778x3000xf32>
    %mul3A_104 = arith.mulf %sub3A_103, %sub3A_103 : vector<778x3000xf32>
    %slice3A_105 = vector.extract_strided_slice %get3A_98 {offsets = [1, 0], sizes = [1, 3000], strides = [1, 1]} : vector<3x3000xf32> to vector<1x3000xf32>
    %slice3A_106 = vector.extract_strided_slice %get3A_93 {offsets = [0, 1], sizes = [778, 1], strides = [1, 1]} : vector<778x3xf32> to vector<778x1xf32>
    %sub3A_107 = vector.broadcast %slice3A_105 : vector<1x3000xf32> to vector<778x3000xf32>
    %sub3A_108 = vector.broadcast %slice3A_106 : vector<778x1xf32> to vector<778x3000xf32>
    %sub3A_109 = arith.subf %sub3A_107, %sub3A_108 : vector<778x3000xf32>
    %mul3A_110 = arith.mulf %sub3A_109, %sub3A_109 : vector<778x3000xf32>
    %add3A_111 = arith.addf %mul3A_104, %mul3A_110 : vector<778x3000xf32>
    %slice3A_112 = vector.extract_strided_slice %get3A_98 {offsets = [2, 0], sizes = [1, 3000], strides = [1, 1]} : vector<3x3000xf32> to vector<1x3000xf32>
    %slice3A_113 = vector.extract_strided_slice %get3A_93 {offsets = [0, 2], sizes = [778, 1], strides = [1, 1]} : vector<778x3xf32> to vector<778x1xf32>
    %sub3A_114 = vector.broadcast %slice3A_112 : vector<1x3000xf32> to vector<778x3000xf32>
    %sub3A_115 = vector.broadcast %slice3A_113 : vector<778x1xf32> to vector<778x3000xf32>
    %sub3A_116 = arith.subf %sub3A_114, %sub3A_115 : vector<778x3000xf32>
    %mul3A_117 = arith.mulf %sub3A_116, %sub3A_116 : vector<778x3000xf32>
    %add3A_118 = arith.addf %add3A_111, %mul3A_117 : vector<778x3000xf32>
    %reduce_min3A_119 = arith.constant dense<0x7F800000> : vector<778xf32>
    %reduce_min3A_120 = vector.multi_reduction <minimumf>, %add3A_118, %reduce_min3A_119 [1] : vector<778x3000xf32> to vector<778xf32>
    %broadcast_in_dim3A_121 = vector.shape_cast %reduce_min3A_120 : vector<778xf32> to vector<778x1xf32>
    %sqrt3A_122 = math.sqrt %broadcast_in_dim3A_121 : vector<778x1xf32>
    %swap3A_123 = arith.constant 1 : index
    %swap3A_124 = arith.constant 0 : index
    %swap3A_125 = arith.constant 0 : index
    %swap3A_126 = vector.load %arg5[%swap3A_123, %swap3A_124, %swap3A_125] : memref<2x778x1xf32, #tpu.memory_space<vmem>>, vector<1x778x1xf32>
    %swap3A_127 = vector.shape_cast %swap3A_126 : vector<1x778x1xf32> to vector<778x1xf32>
    %swap3A_128 = vector.shape_cast %sqrt3A_122 : vector<778x1xf32> to vector<1x778x1xf32>
    tpu.vector_store %arg5[%swap3A_123, %swap3A_124, %swap3A_125], %swap3A_128 {strides = array<i32>} : memref<2x778x1xf32, #tpu.memory_space<vmem>>, vector<1x778x1xf32>,
    %reduce_min3A_129 = arith.constant dense<0x7F800000> : vector<3000xf32>
    %reduce_min3A_130 = vector.multi_reduction <minimumf>, %add3A_118, %reduce_min3A_129 [0] : vector<778x3000xf32> to vector<3000xf32>
    %broadcast_in_dim3A_131 = vector.shape_cast %reduce_min3A_130 : vector<3000xf32> to vector<1x3000xf32>
    %eq3A_132 = vector.broadcast %broadcast_in_dim3A_131 : vector<1x3000xf32> to vector<778x3000xf32>
    %eq3A_133 = arith.cmpf oeq, %add3A_118, %eq3A_132 : vector<778x3000xf32>
    %jit3A_134 = arith.constant 1.000000e+00 : f32
    %jit3A_135 = arith.constant 0.000000e+00 : f32
    %broadcast_in_dim3A_136 = vector.broadcast %jit3A_134 : f32 to vector<778x3000xf32>
    %broadcast_in_dim3A_137 = vector.broadcast %jit3A_135 : f32 to vector<778x3000xf32>
    %select_n3A_138 = arith.select %eq3A_133, %broadcast_in_dim3A_136, %broadcast_in_dim3A_137 : vector<778x3000xi1>, vector<778x3000xf32>
    %convert_element_type3A_139 = arith.truncf %select_n3A_138 : vector<778x3000xf32> to vector<778x3000xbf16>
    %iota3A_140 = tpu.iota {dimensions = array<i32: 0>} : vector<778x1xi32>
    %convert_element_type3A_141 = arith.sitofp %iota3A_140 : vector<778x1xi32> to vector<778x1xf32>
    %broadcast_in_dim3A_142 = arith.constant 1.000000e+00 : f32
    %broadcast_in_dim3A_143 = vector.broadcast %broadcast_in_dim3A_142 : f32 to vector<778x1xf32>
    %mul3A_144 = arith.mulf %convert_element_type3A_141, %convert_element_type3A_141 : vector<778x1xf32>
    %concatenate3A_145 = tpu.concatenate %convert_element_type3A_141, %broadcast_in_dim3A_143, %mul3A_144 in 1 : vector<778x1xf32>, vector<778x1xf32>, vector<778x1xf32> -> vector<778x3xf32>
    %convert_element_type3A_146 = arith.truncf %concatenate3A_145 : vector<778x3xf32> to vector<778x3xbf16>
    %convert_element_type3A_147 = arith.extf %convert_element_type3A_146 : vector<778x3xbf16> to vector<778x3xf32>
    %sub3A_148 = arith.subf %concatenate3A_145, %convert_element_type3A_147 : vector<778x3xf32>
    %convert_element_type3A_149 = arith.truncf %sub3A_148 : vector<778x3xf32> to vector<778x3xbf16>
    %convert_element_type3A_150 = arith.extf %convert_element_type3A_149 : vector<778x3xbf16> to vector<778x3xf32>
    %sub3A_151 = arith.subf %sub3A_148, %convert_element_type3A_150 : vector<778x3xf32>
    %convert_element_type3A_152 = arith.truncf %sub3A_151 : vector<778x3xf32> to vector<778x3xbf16>
    %dot_general3A_153 = arith.constant dense<0.000000e+00> : vector<3x3000xf32>
    %dot_general3A_154 = tpu.matmul %convert_element_type3A_146, %convert_element_type3A_139, %dot_general3A_153 {dimension_numbers = #tpu.dot_dimension_numbers<[0], [0], [1], [1], [0, 1, 1, 1], [], []>, transpose_lhs_hint = false} : vector<778x3xbf16>, vector<778x3000xbf16>, vector<3x3000xf32> -> vector<3x3000xf32>
    %dot_general3A_155 = arith.constant dense<0.000000e+00> : vector<3x3000xf32>
    %dot_general3A_156 = tpu.matmul %convert_element_type3A_149, %convert_element_type3A_139, %dot_general3A_155 {dimension_numbers = #tpu.dot_dimension_numbers<[0], [0], [1], [1], [0, 1, 1, 1], [], []>, transpose_lhs_hint = false} : vector<778x3xbf16>, vector<778x3000xbf16>, vector<3x3000xf32> -> vector<3x3000xf32>
    %add3A_157 = arith.addf %dot_general3A_154, %dot_general3A_156 : vector<3x3000xf32>
    %dot_general3A_158 = arith.constant dense<0.000000e+00> : vector<3x3000xf32>
    %dot_general3A_159 = tpu.matmul %convert_element_type3A_152, %convert_element_type3A_139, %dot_general3A_158 {dimension_numbers = #tpu.dot_dimension_numbers<[0], [0], [1], [1], [0, 1, 1, 1], [], []>, transpose_lhs_hint = false} : vector<778x3xbf16>, vector<778x3000xbf16>, vector<3x3000xf32> -> vector<3x3000xf32>
    %add3A_160 = arith.addf %add3A_157, %dot_general3A_159 : vector<3x3000xf32>
    %slice3A_161 = vector.extract_strided_slice %add3A_160 {offsets = [0, 0], sizes = [1, 3000], strides = [1, 1]} : vector<3x3000xf32> to vector<1x3000xf32>
    %slice3A_162 = vector.extract_strided_slice %add3A_160 {offsets = [1, 0], sizes = [1, 3000], strides = [1, 1]} : vector<3x3000xf32> to vector<1x3000xf32>
    %slice3A_163 = vector.extract_strided_slice %add3A_160 {offsets = [2, 0], sizes = [1, 3000], strides = [1, 1]} : vector<3x3000xf32> to vector<1x3000xf32>
    %mul3A_164 = arith.constant 2.000000e+00 : f32
    %mul3A_165 = vector.broadcast %mul3A_164 : f32 to vector<1x3000xf32>
    %mul3A_166 = arith.mulf %mul3A_165, %slice3A_163 : vector<1x3000xf32>
    %mul3A_167 = arith.mulf %slice3A_161, %slice3A_161 : vector<1x3000xf32>
    %sub3A_168 = arith.subf %mul3A_166, %mul3A_167 : vector<1x3000xf32>
    %max3A_169 = arith.constant 0.000000e+00 : f32
    %max3A_170 = vector.broadcast %max3A_169 : f32 to vector<1x3000xf32>
    %max3A_171 = arith.maximumf %sub3A_168, %max3A_170 : vector<1x3000xf32>
    %sqrt3A_172 = math.sqrt %max3A_171 : vector<1x3000xf32>
    %sub3A_173 = arith.subf %slice3A_161, %sqrt3A_172 : vector<1x3000xf32>
    %mul3A_174 = arith.constant 5.000000e-01 : f32
    %mul3A_175 = vector.broadcast %mul3A_174 : f32 to vector<1x3000xf32>
    %mul3A_176 = arith.mulf %mul3A_175, %sub3A_173 : vector<1x3000xf32>
    %eq3A_177 = arith.constant 1.000000e+00 : f32
    %eq3A_178 = vector.broadcast %eq3A_177 : f32 to vector<1x3000xf32>
    %eq3A_179 = arith.cmpf oeq, %slice3A_162, %eq3A_178 : vector<1x3000xf32>
    %select_n3A_180 = arith.select %eq3A_179, %slice3A_161, %mul3A_176 : vector<1x3000xi1>, vector<1x3000xf32>
    %convert_element_type3A_181 = arith.fptosi %select_n3A_180 : vector<1x3000xf32> to vector<1x3000xi32>
    %swap3A_182 = arith.constant 1 : index
    %swap3A_183 = arith.constant 0 : index
    %swap3A_184 = arith.constant 0 : index
    %swap3A_185 = vector.load %arg6[%swap3A_182, %swap3A_183, %swap3A_184] : memref<2x1x3000xi32, #tpu.memory_space<vmem>>, vector<1x1x3000xi32>
    %swap3A_186 = vector.shape_cast %swap3A_185 : vector<1x1x3000xi32> to vector<1x3000xi32>
    %swap3A_187 = vector.shape_cast %convert_element_type3A_181 : vector<1x3000xi32> to vector<1x1x3000xi32>
    tpu.vector_store %arg6[%swap3A_182, %swap3A_183, %swap3A_184], %swap3A_187 {strides = array<i32>} : memref<2x1x3000xi32, #tpu.memory_space<vmem>>, vector<1x1x3000xi32>,
    %sqrt3A_188 = math.sqrt %broadcast_in_dim3A_131 : vector<1x3000xf32>
    %swap3A_189 = arith.constant 1 : index
    %swap3A_190 = arith.constant 0 : index
    %swap3A_191 = arith.constant 0 : index
    %swap3A_192 = vector.load %arg4[%swap3A_189, %swap3A_190, %swap3A_191] : memref<2x1x3000xf32, #tpu.memory_space<vmem>>, vector<1x1x3000xf32>
    %swap3A_193 = vector.shape_cast %swap3A_192 : vector<1x1x3000xf32> to vector<1x3000xf32>
    %swap3A_194 = vector.shape_cast %sqrt3A_188 : vector<1x3000xf32> to vector<1x1x3000xf32>
    tpu.vector_store %arg4[%swap3A_189, %swap3A_190, %swap3A_191], %swap3A_194 {strides = array<i32>} : memref<2x1x3000xf32, #tpu.memory_space<vmem>>, vector<1x1x3000xf32>,
    return
  }
  func.func @transform_0(%arg0: i32) -> (i32, i32, i32) {
    %c0_i32 = arith.constant 0 : i32
    %c0_i32_0 = arith.constant 0 : i32
    %c0_i32_1 = arith.constant 0 : i32
    return %arg0, %c0_i32, %c0_i32_0 : i32, i32, i32
  }
  func.func @transform_1(%arg0: i32) -> (i32, i32, i32) {
    %c0_i32 = arith.constant 0 : i32
    %c0_i32_0 = arith.constant 0 : i32
    %c0_i32_1 = arith.constant 0 : i32
    return %arg0, %c0_i32, %c0_i32_0 : i32, i32, i32
  }
  func.func @transform_2(%arg0: i32) -> (i32, i32, i32) {
    %c0_i32 = arith.constant 0 : i32
    %c0_i32_0 = arith.constant 0 : i32
    %c0_i32_1 = arith.constant 0 : i32
    return %arg0, %c0_i32, %c0_i32_0 : i32, i32, i32
  }
  func.func @transform_3(%arg0: i32) -> (i32, i32, i32) {
    %c0_i32 = arith.constant 0 : i32
    %c0_i32_0 = arith.constant 0 : i32
    %c0_i32_1 = arith.constant 0 : i32
    return %arg0, %c0_i32, %c0_i32_0 : i32, i32, i32
  }
  func.func @transform_4(%arg0: i32) -> (i32, i32, i32) {
    %c0_i32 = arith.constant 0 : i32
    %c0_i32_0 = arith.constant 0 : i32
    %c0_i32_1 = arith.constant 0 : i32
    return %arg0, %c0_i32, %c0_i32_0 : i32, i32, i32
  }
  func.func @transform_5(%arg0: i32) -> (i32, i32, i32) {
    %c0_i32 = arith.constant 0 : i32
    %c0_i32_0 = arith.constant 0 : i32
    %c0_i32_1 = arith.constant 0 : i32
    return %arg0, %c0_i32, %c0_i32_0 : i32, i32, i32
  }
}

</mosaic_0001>

<sc_bundles>
// kernel: kernel.4.cloned.1.call-start
scs
__scs_entry_jumppad:
0x0: {  	(pc) =	sbr.rel $0x88, $3  }
0x1: {  	(tag) =	ssettag $0x0;
	lr =	simm.s32 $0x1  }
0x2: {  	[smem:$0x3F9E] =	sst lr;
	_ =	strace $0xD0000000  }
0x3: {  	_ = 	snop  }
0x4: {  	_ = 	snop  }
0x5: {  	_ = 	snop  }
0x6: {  	_ = 	snop  }
0x7: {  	_ = 	snop  }
__scs_overlays_trampoline_lowered:
0x8: {  	[smem:$0x3FAD] =	sst s0  }
0x9: {  	[smem:$0x3FAE] =	sst s1  }
0xa: {  	[smem:$0x3FAF] =	sst s2  }
0xb: {  	[smem:$0x3FB0] =	sst s3  }
0xc: {  	[smem:$0x3FB1] =	sst s4  }
0xd: {  	[smem:$0x3FB2] =	sst s5  }
0xe: {  	[smem:$0x3FB3] =	sst s6  }
0xf: {  	[smem:$0x3FB4] =	sst s7  }
0x10: {  	[smem:$0x3FB5] =	sst s8  }
0x11: {  	[smem:$0x3FB6] =	sst s9;
	s0 =	simm.s32 @!p0 $0x0  }
0x12: {  	s1 =	sld [smem:$0x3F9C];
	s0 =	simm.s32 @p0 $0x1  }
0x13: {  	[smem:$0x3FB7] =	sst s0;
	s0 =	simm.s32 @!p1 $0x0  }
0x14: {  	s2 =	sld [smem:$0x3F9B];
	s0 =	simm.s32 @p1 $0x1  }
0x15: {  	[smem:$0x3FB8] =	sst s0;
	s0 =	simm.s32 @!p2 $0x0  }
0x16: {  	s3 =	sld [smem:$0x3FDB];
	s0 =	simm.s32 @p2 $0x1  }
0x17: {  	s4 =	simm.s32 $0x1BF5;
	[smem:$0x3FBA] =	sst s0  }
0x18: {  	s0 =	sld [smem:$0x3F9D];
	_ =	swait.ge [sflag:s4], $0x0  }
0x19: {  	s7 =	sld [smem:$0x3F9E]  }
0x1a: {  	s8 =	sadd.s32 $0xFFFFE003, lr  }
0x1b: {  	s9 =	sadd.s32 $0xFFFFFEF7, lr;
	s5 =	simm.s32 $0xFFFFFFFF;
	p2 =	slt.u32 s8, $0xFFFFF086  }
0x1c: {  	p1 =	slt.u32 s9, $0xF7A;
	s5 =	simm.s32 @!p2 $0x0  }
0x1d: {  	s5 =	simm.s32 @p1 $0x1;
	p0 =	seq.s32 s7, s2  }
0x1e: {  	s7 =	smul.u32 @!p0 $0xF7A, s2;
	p2 =	seq.s32 @!p0 s5, $0x0  }
0x1f: {  	s9 =	smul.u32 $0xF7A, s1;
	s8 =	simm.s32 @!p0 $0x1BF5;
	p2 =	por !p2, p0  }
0x20: {  	[sflag:s8] =	ssyncset.s32 @!p0 $0xFFFFF086;
	s6 =	sadd.s32 @!p0 s3, s7;
	s7 =	simm.s32 @!p0 $0x108  }
0x21: {  	s3 =	sadd.s32 s3, s9;
	s6 =	sadd.s32 @!p0 $0x88, s6;
	s7 =	simm.s32 @p2 $0x1082  }
0x22: {  	[simem:s7], [sflag:s8] =	dma.local @!p0 [hbm:s6], $0xF7A  }
0x23: {  	s9 =	sor.u32 $0xD0000000, s2;
	s6 =	simm.s32 $0x108;
	_ =	swait.ge @!p0 [sflag:s8], $0x0  }
0x24: {  	s3 =	sadd.s32 $0x88, s3;
	s6 =	simm.s32 @!p1 $0x1082;
	[sflag:s4] =	ssyncset.s32 $0xFFFFF086  }
0x25: {  	[simem:s6], [sflag:s4] =	dma.local [hbm:s3], $0xF7A  }
0x26: {  	[smem:$0x3F9E] =	sst s1;
	(tag) =	ssettag s2;
	_ =	strace s9  }
0x27: {  	s1 =	sld [smem:$0x3FAE]  }
0x28: {  	s2 =	sld [smem:$0x3FAF]  }
0x29: {  	s4 =	sld [smem:$0x3FB1]  }
0x2a: {  	p0 =	seq.s32 s5, $0x0;
	s5 =	sld [smem:$0x3FB2]  }
0x2b: {  	s6 =	sld [smem:$0x3FB3]  }
0x2c: {  	s7 =	sld [smem:$0x3FB4]  }
0x2d: {  	s3 =	simm.s32 $0x108;
	s8 =	sld [smem:$0x3FB5]  }
0x2e: {  	s3 =	simm.s32 @!p0 $0x1082;
	s9 =	sld [smem:$0x3FB6]  }
0x2f: {  	lr =	sadd.s32 s0, s3;
	s0 =	sld [smem:$0x3FAD]  }
0x30: {  	s3 =	sld [smem:$0x3FB0]  }
0x31: {  	[smem:$0x3FB9] =	sst s10  }
0x32: {  	s10 =	sld [smem:$0x3FB7];
	_ =	sdelay $0x3  }
0x33: {  	p0 =	seq.s32 s10, $0x1;
	s10 =	sld [smem:$0x3FB9];
	_ =	sdelay $0x3  }
0x34: {  	[smem:$0x3FB9] =	sst s10  }
0x35: {  	s10 =	sld [smem:$0x3FB8];
	_ =	sdelay $0x3  }
0x36: {  	p1 =	seq.s32 s10, $0x1;
	s10 =	sld [smem:$0x3FB9];
	_ =	sdelay $0x3  }
0x37: {  	[smem:$0x3FB9] =	sst s10  }
0x38: {  	s10 =	sld [smem:$0x3FBA]  }
0x39: {  	_ = 	snop;
	(pc) =	sbr.ind lr, $3  }
0x3a: {  	_ = 	snop  }
0x3b: {  	_ = 	snop  }
0x3c: {  	p2 =	seq.s32 s10, $0x1;
	s10 =	sld [smem:$0x3FB9]  }
0x3d: {  	_ =	shalt  }
0x3e: {  	_ =	shalt  }
0x3f: {  	_ =	shalt  }
0x40: {  	_ =	shalt  }
0x41: {  	_ =	shalt  }
0x42: {  	_ =	shalt  }
0x43: {  	_ =	shalt  }
0x44: {  	_ =	shalt  }
0x45: {  	_ =	shalt  }
0x46: {  	_ =	shalt  }
0x47: {  	_ =	shalt  }
0x48: {  	_ =	shalt  }
0x49: {  	_ =	shalt  }
0x4a: {  	_ =	shalt  }
0x4b: {  	_ =	shalt  }
0x4c: {  	_ =	shalt  }
0x4d: {  	_ =	shalt  }
0x4e: {  	_ =	shalt  }
0x4f: {  	_ =	shalt  }
0x50: {  	_ =	shalt  }
0x51: {  	_ =	shalt  }
0x52: {  	_ =	shalt  }
0x53: {  	_ =	shalt  }
0x54: {  	_ =	shalt  }
0x55: {  	_ =	shalt  }
0x56: {  	_ =	shalt  }
0x57: {  	_ =	shalt  }
0x58: {  	_ =	shalt  }
0x59: {  	_ =	shalt  }
0x5a: {  	_ =	shalt  }
0x5b: {  	_ =	shalt  }
0x5c: {  	_ =	shalt  }
0x5d: {  	_ =	shalt  }
0x5e: {  	_ =	shalt  }
0x5f: {  	_ =	shalt  }
0x60: {  	_ =	shalt  }
0x61: {  	_ =	shalt  }
0x62: {  	_ =	shalt  }
0x63: {  	_ =	shalt  }
0x64: {  	_ =	shalt  }
0x65: {  	_ =	shalt  }
0x66: {  	_ =	shalt  }
0x67: {  	_ =	shalt  }
0x68: {  	_ =	shalt  }
0x69: {  	_ =	shalt  }
0x6a: {  	_ =	shalt  }
0x6b: {  	_ =	shalt  }
0x6c: {  	_ =	shalt  }
0x6d: {  	_ =	shalt  }
0x6e: {  	_ =	shalt  }
0x6f: {  	_ =	shalt  }
0x70: {  	_ =	shalt  }
0x71: {  	_ =	shalt  }
0x72: {  	_ =	shalt  }
0x73: {  	_ =	shalt  }
0x74: {  	_ =	shalt  }
0x75: {  	_ =	shalt  }
0x76: {  	_ =	shalt  }
0x77: {  	_ =	shalt  }
0x78: {  	_ =	shalt  }
0x79: {  	_ =	shalt  }
0x7a: {  	_ =	shalt  }
0x7b: {  	_ =	shalt  }
0x7c: {  	_ =	shalt  }
0x7d: {  	_ =	shalt  }
0x7e: {  	_ =	shalt  }
0x7f: {  	_ =	shalt  }
0x80: {  	_ =	shalt  }
0x81: {  	_ =	shalt  }
0x82: {  	_ =	shalt  }
0x83: {  	_ =	shalt  }
0x84: {  	_ =	shalt  }
0x85: {  	_ =	shalt  }
0x86: {  	_ =	shalt  }
0x87: {  	_ =	shalt  }
.Lfunc_end0:
.L_simem_size_0:
called_computation_lowered:
.L_overlay_start_0:
0x88: {  	s2 =	sld [smem:$0x3FD9]  }
0x89: {  	s3 =	sld [smem:$0x3FFE];
	_ =	sdelay $0x1  }
0x8a: {  	s1 =	srdreg.scid  }
0x8b: {  	s0 =	sand.u32 $0x1, s1  }
0x8c: {  	s14 =	sshll.u32 s0, $0xA;
	s2 =	sadd.s32 s3, s2  }
0x8d: {  	s2 =	sadd.s32 s2, s14  }
0x8e: {  	[smem:$0x3FC5] =	sst s2  }
0x8f: {  	_ = 	snop  }
0x90: {  	s2 =	sld [smem:$0x3FD0];
	_ =	sdelay $0x2  }
0x91: {  	s15 =	simm.s32 $0xA;
	s4 =	simm.s32 $0x10  }
0x92: {  	[smem:s4], [sflag:s15] =	dma.local [hbm:s2], $0x1  }
0x93: {  	_ =	swait.eq [sflag:s15], $0x1  }
0x94: {  	[sflag:s15] =	ssyncset.done $0x0  }
0x95: {  	[sflag:s15] =	ssyncadd.s32 $0xFFFFFFFF  }
0x96: {  	s16 =	sld [smem:$0x10];
	(tm) =	ssettm $0x1  }
0x97: {  	s17 =	sld [smem:$0x3FFB];
	_ =	sdelay $0x3  }
0x98: {  	_ =	strace s17  }
0x99: {  	s3 =	sld [smem:$0x3FFC];
	_ =	sdelay $0x3  }
0x9a: {  	_ =	strace s3  }
0x9b: {  	s3 =	sld [smem:$0x3FFD];
	_ =	sdelay $0x3  }
0x9c: {  	_ =	strace s3  }
0x9d: {  	_ =	strace $0x8FFFFFFF  }
0x9e: {  	s18 =	sld [smem:$0x3FDB];
	_ =	sdelay $0x1  }
0x9f: {  	s19 =	simm.s32 $_scs_section_size  }
0xa0: {  	s5 =	simm.s32 $_size__tile_overlayer_lowered;
	s6 =	simm.s32 $_tile_overlayer_lowered  }
0xa1: {  	s22 =	simm.s32 $0x1BFF;
	s21 =	sshll.u32 s6, $0x1;
	s3 =	sadd.s32 s19, s18  }
0xa2: {  	s7 =	simm.s32 $0x0;
	s20 =	sshll.u32 s5, $0x1;
	s5 =	sadd.s32 s21, s3  }
0xa3: {  	[timem:s7], [sflag:s22] =	dma.local [hbm:s5], s20  }
0xa4: {  	_ =	swait.ge [sflag:s22], s20  }
0xa5: {  	s4 =	ssub.s32 $0x0, s20;
	[sflag:s22] =	ssyncset.done $0x0  }
0xa6: {  	[sflag:s22] =	ssyncadd.s32 s4;
	_ =	sdelay $0x1  }
0xa7: {  	s23 =	simm.s32 $0x1B8B  }
0xa8: {  	_ =	swait.ge [sflag:s23], $0x1  }
0xa9: {  	[sflag:s23] =	ssyncset.done $0x0  }
0xaa: {  	s25 =	simm.s32 $0x1B8E;
	s24 =	sld [smem:$0x3FFE];
	[sflag:s23] =	ssyncadd.s32 $0xFFFFFFFF  }
0xab: {  	s26 =	simm.s32 $execute0_lowered;
	[smem:$0x3FD2] =	sst s25  }
0xac: {  	s5 =	sshll.u32 s26, $0x1;
	_ =	strace $0x80000046;
	[dreg:$0x1] =	wrdreg $0xFFFFFFFF  }
0xad: {  	s28 =	simm.s32 $_size_execute0_lowered;
	s3 =	sadd.s32 s3, s5;
	[dreg:$0x0] =	wrdreg $0x0  }
0xae: {  	s5 =	sshll.u32 s28, $0x1;
	[dreg:$0x2] =	wrdreg s3  }
0xaf: {  	[dreg:$0x3] =	wrdreg s5  }
0xb0: {  	[dreg:$0x4] =	wrdreg $0xC0  }
0xb1: {  	_ =	task [dreg:s7], $0x5FFFF  }
0xb2: {  	[dreg:$0x1] =	wrdreg $0xFFFFFFFF  }
0xb3: {  	[dreg:$0x0] =	wrdreg $0x60  }
0xb4: {  	[dreg:$0x2] =	wrdreg s24  }
0xb5: {  	[dreg:$0x3] =	wrdreg s16  }
0xb6: {  	[dreg:$0x4] =	wrdreg $0x9  }
0xb7: {  	_ =	task.clear_ibuf [dreg:s7], $0x5FFFF;
	_ =	strace $0x90000046  }
0xb8: {  	s29 =	simm.s32 $0x9;
	_ =	strace $0x80000048  }
0xb9: {  	_ =	swait.ge [sflag:s29], $0x1  }
0xba: {  	[sflag:s29] =	ssyncadd.s32 $0xFFFFFFFF  }
0xbb: {  	_ =	strace $0x90000048  }
0xbc: {  	_ =	sfence  }
0xbd: {  	s30 =	sld [smem:$0x0];
	_ =	sdelay $0x2  }
0xbe: {  	s31 =	sshll.u32 s1, $0xD;
	s1 =	sshrl.u32 s1, $0x2  }
0xbf: {  	s3 =	sand.u32 $0x4000, s31;
	s1 =	sadd.s32 s1, s30  }
0xc0: {  	s0 =	sor.u32 s3, s0;
	s1 =	sshll.u32 s1, $0x11  }
0xc1: {  	s0 =	sor.u32 s1, s0  }
0xc2: {  	s0 =	sadd.s32 $0x8F2B, s0  }
0xc3: {  	[sflag:s0] =	ssyncadd.remote.s32 $0x1  }
0xc4: {  	_ =	sfence.sel $0xFFFF  }
0xc5: {  	[dreg:$0x0] =	wrdreg $0xFFFFFFFF;
	(pc) =	sbr.abs _section_cstart, $3  }
0xc6: {  	[dreg:$0x1] =	wrdreg $0xFFFFFFFF  }
0xc7: {  	_ =	task.clear_ibuf [dreg:s7], $0x2FFFF;
	_ =	strace $0x9FFFFFFF  }
0xc8: {  	(tm) =	ssettm $0x7FFFFFFF  }
0xc9: {  	_ =	shalt  }
tec
execute0_lowered:
.L_overlay_start_1:
0x0: {  	(tag) =	ssettag $0x1  }
0x1: {  	s1 =	srdreg.scid  }
0x2: {  	s0 =	stileid.u32;
	s8 =	rddreg [dreg:$0x0]  }
0x3: {  	s7 =	rddreg [dreg:$0x1];
	s2 =	simm.s32 $0x0;
	s13 =	simm.s32 $0x1  }
0x4: {  	s14 =	simm.s32 $0x1880;
	s15 =	simm.s32 $0x2480;
	s16 =	simm.s32 $0x3080  }
0x5: {  	s17 =	simm.s32 $0x3C80;
	s18 =	simm.s32 $0x4880;
	s19 =	simm.s32 $0x5480  }
0x6: {  	s20 =	simm.s32 $0x0;
	s3 =	sand.u32 $0x1, s1;
	s1 =	rddreg [dreg:$0x2]  }
0x7: {  	s26 =	sshll.u32 s0, $0x1;
	s28 =	sshrl.u32 s0, $0x2;
	[smem:$0x7FF] =	sst s2  }
0x8: {  	s10 =	sadd.s32 $0xC4000, s8;
	s4 =	sor.u32 s3, s26;
	s5 =	smul.u32 $0xC400, s28  }
0x9: {  	s3 =	ssub.s32 $0x2, s3;
	s6 =	sshll.u32 s4, $0x7;
	s29 =	smul.u32 $0x2328, s4  }
0xa: {  	s9 =	sshrl.u32 s3, $0x1;
	s12 =	smul.u32 $0x177, s4;
	s6 =	sand.u32 $0x380, s6  }
0xb: {  	_ =	strace $0x80000047;
	s11 =	ssub.s32 s3, s9;
	s5 =	sor.u32 s5, s6  }
0xc: {  	s30 =	sadd.s32 $0xBB8, s29;
	s6 =	sshrl.u32 s29, $0x3;
	s7 =	sadd.s32 s7, s12  }
0xd: {  	s5 =	sshrl.u32 s5, $0x3;
	s31 =	sshrl.u32 s30, $0x3;
	s4 =	sadd.s32 s10, s6  }
0xe: {  	s5 =	sadd.s32 s5, s8;
	s6 =	sadd.s32 $0x2EE, s4;
	s8 =	sadd.s32 s8, s12  }
0xf: {  	v0 =	vimm.f32 $1.000000000e+00;
	s12 =	simm.s32 $0x400;
	s3 =	sadd.s32 $0x3000, s5;
	s5 =	sadd.s32 s10, s31  }
0x10: {  	v0 =	vand.u32 $0x7FFFFFFF, v0;
	s9 =	sadd.s32 $0x9200, s8;
	s10 =	smax.u32 s11, $0x1;
	s11 =	simm.s32 $0x80  }
.LBB2_1:
0x11: {  	[tilespmem:s2], [sflag:$0x1] =	stream.strided.gather [hbm4b:s3+s11], $0x1880, s12, s11, $0x38;
	[tilespmem:$0x6080] =	vst v63  }
0x12: {  	_ =	swait.ge [sflag:s13], $0x1880  }
0x13: {  	[sflag:s13] =	ssyncset.done $0x0  }
0x14: {  	[sflag:s13] =	ssyncadd.s32 $0xFFFFE780  }
0x15: {  	[tilespmem:s14], [sflag:$0x1] =	stream.linear.gather [hbm4b:s4+s2], $0xBB8, $0x38;
	[tilespmem:$0x6080] =	vst v63  }
0x16: {  	_ =	swait.ge [sflag:s13], $0xBB8  }
0x17: {  	[sflag:s13] =	ssyncset.done $0x0  }
0x18: {  	[sflag:s13] =	ssyncadd.s32 $0xFFFFF448  }
0x19: {  	[tilespmem:s15], [sflag:$0x1] =	stream.linear.gather [hbm4b:s5+s2], $0xBB8, $0x38;
	[tilespmem:$0x6080] =	vst v63  }
0x1a: {  	_ =	swait.ge [sflag:s13], $0xBB8  }
0x1b: {  	[sflag:s13] =	ssyncset.done $0x0  }
0x1c: {  	[sflag:s13] =	ssyncadd.s32 $0xFFFFF448  }
0x1d: {  	[tilespmem:s16], [sflag:$0x1] =	stream.linear.gather [hbm4b:s6+s2], $0xBB8, $0x38;
	[tilespmem:$0x6080] =	vst v63  }
0x1e: {  	_ =	swait.ge [sflag:s13], $0xBB8  }
0x1f: {  	[sflag:s13] =	ssyncset.done $0x0  }
0x20: {  	[sflag:s13] =	ssyncadd.s32 $0xFFFFF448  }
0x21: {  	[tilespmem:s17], [sflag:$0x1] =	stream.linear.gather [hbm4b:s7+s2], $0xBB8, $0x38;
	[tilespmem:$0x6080] =	vst v63  }
0x22: {  	_ =	swait.ge [sflag:s13], $0xBB8  }
0x23: {  	[sflag:s13] =	ssyncset.done $0x0  }
0x24: {  	[sflag:s13] =	ssyncadd.s32 $0xFFFFF448  }
0x25: {  	[tilespmem:s18], [sflag:$0x1] =	stream.linear.gather [hbm4b:s8+s2], $0xBB8, $0x38;
	[tilespmem:$0x6080] =	vst v63  }
0x26: {  	_ =	swait.ge [sflag:s13], $0xBB8  }
0x27: {  	[sflag:s13] =	ssyncset.done $0x0  }
0x28: {  	s21 =	simm.s32 $0x0;
	[sflag:s13] =	ssyncadd.s32 $0xFFFFF448  }
0x29: {  	v1 =	vld [tilespmem:s21+$0x4880];
	_ =	sdelay $0x4  }
0x2a: {  	v1 =	vshll.u32 v1, $0x3  }
0x2b: {  	v3 =	vor.u32 $0x4, v1  }
0x2c: {  	v6 =	vld [tilespmem:s21+$0x1880];
	v4 =	vor.u32 $0x3, v1  }
0x2d: {  	v7 =	vld [tilespmem:s21+$0x2480];
	v2 =	vor.u32 $0x5, v1  }
0x2e: {  	v9 =	vld [tilespmem:s21+$0x3080];
	v5 =	vor.u32 $0x1, v1  }
0x2f: {  	v8 =	vor.u32 $0x2, v1;
	v1 =	vld.idx.msk [tilespmem:v1+s2+$0x0], $0xffff  }
0x30: {  	v3 =	vld.idx.msk [tilespmem:v3+s2+$0x0], $0xffff  }
0x31: {  	v4 =	vld.idx.msk [tilespmem:v4+s2+$0x0], $0xffff  }
0x32: {  	v2 =	vld.idx.msk [tilespmem:v2+s2+$0x0], $0xffff  }
0x33: {  	v5 =	vld.idx.msk [tilespmem:v5+s2+$0x0], $0xffff;
	_ =	sdelay $0x1  }
0x34: {  	v8 =	vld.idx.msk [tilespmem:v8+s2+$0x0], $0xffff  }
0x35: {  	v4 =	vsub.f32 v6, v4;
	v3 =	vsub.f32 v7, v3  }
0x36: {  	s22 =	simm.s32 $0x10  }
0x37: {  	v4 =	vmul.f32 v4, v1;
	v3 =	vmul.f32 v3, v5;
	v5 =	vsub.f32 v9, v2;
	v1 =	vld [tilespmem:s22+$0x4880];
	_ =	sdelay $0x1  }
0x38: {  	s23 =	simm.s32 $0x80;
	v2 =	vadd.f32 v3, v4;
	v3 =	vmul.f32 v5, v8  }
.LBB2_2:
0x39: {  	p0 =	sne.s32 s23, $0x2E80  }
0x3a: {  	v2 =	vadd.f32 v3, v2;
	v3 =	vld [tilespmem:s21+$0x3C80]  }
0x3b: {  	v1 =	vshll.u32 v1, $0x3  }
0x3c: {  	v4 =	vand.u32 $0x80000000, v2;
	vm0 =	vlt.f32 v2, $0.0e+00;
	vm1 =	vgt.f32 v2, $0.0e+00  }
0x3d: {  	v5 =	vor.u32 $0x5, v1;
	v4 =	vor.u32 v4, v0;
	vm0 =	vmor vm1, vm0  }
0x3e: {  	v6 =	vor.u32 $0x4, v1;
	v2 =	vsel vm0, v4, v2  }
0x3f: {  	v4 =	vor.u32 $0x3, v1;
	v2 =	vmul.f32 v2, v3  }
0x40: {  	v3 =	vor.u32 $0x1, v1;
	v7 =	vld [tilespmem:s22+$0x1880]  }
0x41: {  	v8 =	vld [tilespmem:s22+$0x2480];
	[tilespmem:s21+$0x5480] =	vst v2;
	s21 =	smov.u32 s22  }
0x42: {  	v2 =	vld.idx.msk [tilespmem:v5+s2+$0x0], $0xffff  }
0x43: {  	v5 =	vor.u32 $0x2, v1;
	v6 =	vld.idx.msk [tilespmem:v6+s2+$0x0], $0xffff  }
0x44: {  	v4 =	vld.idx.msk [tilespmem:v4+s2+$0x0], $0xffff  }
0x45: {  	v3 =	vld.idx.msk [tilespmem:v3+s2+$0x0], $0xffff  }
0x46: {  	v9 =	vld.idx.msk [tilespmem:v1+s2+$0x0], $0xffff  }
0x47: {  	v10 =	vld [tilespmem:s21+$0x3080]  }
0x48: {  	v5 =	vld.idx.msk [tilespmem:v5+s2+$0x0], $0xffff;
	_ =	sdelay $0x1  }
.Ltmp0:
0x49: {  	v6 =	vsub.f32 v8, v6;
	v4 =	vsub.f32 v7, v4;
	(pc) =	sbr.rel @p0 .LBB2_2-.Ltmp0, $3  }
0x4a: {  	s22 =	sshra.s32 s23, $0x2  }
0x4b: {  	v3 =	vmul.f32 v6, v3;
	v4 =	vmul.f32 v4, v9;
	v1 =	vld [tilespmem:s22+$0x4880];
	v6 =	vsub.f32 v10, v2;
	_ =	sdelay $0x1  }
0x4c: {  	s23 =	sadd.s32 $0x40, s23;
	v2 =	vadd.f32 v3, v4;
	v3 =	vmul.f32 v6, v5  }
0x4d: {  	_ = 	snop  }
0x4e: {  	v2 =	vadd.f32 v3, v2;
	v3 =	vld [tilespmem:s21+$0x3C80]  }
0x4f: {  	v1 =	vshll.u32 v1, $0x3  }
0x50: {  	v4 =	vand.u32 $0x80000000, v2;
	vm0 =	vlt.f32 v2, $0.0e+00;
	vm1 =	vgt.f32 v2, $0.0e+00  }
0x51: {  	v5 =	vor.u32 $0x5, v1;
	v4 =	vor.u32 v4, v0;
	vm0 =	vmor vm1, vm0  }
0x52: {  	v6 =	vor.u32 $0x4, v1;
	v2 =	vsel vm0, v4, v2  }
0x53: {  	v53 =	vor.u32 $0x3, v1;
	v2 =	vmul.f32 v2, v3  }
0x54: {  	v8 =	vld [tilespmem:s22+$0x2480];
	v7 =	vor.u32 $0x1, v1  }
0x55: {  	v3 =	vld [tilespmem:s22+$0x1880];
	[tilespmem:s21+$0x5480] =	vst v2  }
0x56: {  	v2 =	vld.idx.msk [tilespmem:v5+s2+$0x0], $0xffff  }
0x57: {  	v54 =	vld.idx.msk [tilespmem:v6+s2+$0x0], $0xffff  }
0x58: {  	v55 =	vor.u32 $0x2, v1;
	v4 =	vld.idx.msk [tilespmem:v53+s2+$0x0], $0xffff  }
0x59: {  	v7 =	vld.idx.msk [tilespmem:v7+s2+$0x0], $0xffff  }
0x5a: {  	v1 =	vld.idx.msk [tilespmem:v1+s2+$0x0], $0xffff  }
0x5b: {  	v9 =	vld [tilespmem:s22+$0x3080];
	_ =	sdelay $0x1  }
0x5c: {  	v6 =	vld.idx.msk [tilespmem:v55+s2+$0x0], $0xffff  }
0x5d: {  	v3 =	vsub.f32 v3, v4;
	v56 =	vsub.f32 v8, v54;
	_ =	sdelay $0x1  }
0x5e: {  	v2 =	vsub.f32 v9, v2;
	v1 =	vmul.f32 v3, v1;
	v3 =	vmul.f32 v56, v7;
	_ =	sdelay $0x1  }
0x5f: {  	v2 =	vmul.f32 v2, v6;
	v1 =	vadd.f32 v3, v1;
	_ =	sdelay $0x1  }
0x60: {  	v1 =	vadd.f32 v2, v1;
	v2 =	vld [tilespmem:s22+$0x3C80];
	_ =	sdelay $0x1  }
0x61: {  	v3 =	vand.u32 $0x80000000, v1;
	vm12 =	vlt.f32 v1, $0.0e+00;
	vm13 =	vgt.f32 v1, $0.0e+00  }
0x62: {  	v3 =	vor.u32 v3, v0;
	vm0 =	vmor vm13, vm12  }
0x63: {  	v1 =	vsel vm0, v3, v1  }
0x64: {  	v1 =	vmul.f32 v1, v2;
	_ =	sdelay $0x1  }
0x65: {  	[tilespmem:s22+$0x5480] =	vst v1  }
0x66: {  	v1 =	vld [tilespmem:$0x5428];
	_ =	sdelay $0x4  }
0x67: {  	v1 =	vshll.u32 v1, $0x3  }
0x68: {  	v3 =	vor.u32 $0x3, v1  }
0x69: {  	v60 =	vld [tilespmem:$0x2428];
	v57 =	vor.u32 $0x4, v1  }
0x6a: {  	v61 =	vld [tilespmem:$0x3028];
	v2 =	vor.u32 $0x1, v1  }
0x6b: {  	v62 =	vld [tilespmem:$0x3C28];
	v59 =	vor.u32 $0x5, v1  }
0x6c: {  	v58 =	vld.idx.msk [tilespmem:v1+s2+$0x0], $0xffff  }
0x6d: {  	v1 =	vor.u32 $0x2, v1;
	v3 =	vld.idx.msk [tilespmem:v3+s2+$0x0], $0xffff  }
0x6e: {  	v4 =	vld.idx.msk [tilespmem:v57+s2+$0x0], $0xffff  }
0x6f: {  	v2 =	vld.idx.msk [tilespmem:v2+s2+$0x0], $0xffff  }
0x70: {  	v6 =	vld.idx.msk [tilespmem:v59+s2+$0x0], $0xffff;
	_ =	sdelay $0x1  }
0x71: {  	v1 =	vld.idx.msk [tilespmem:v1+s2+$0x0], $0xffff  }
0x72: {  	v3 =	vsub.f32 v60, v3;
	v4 =	vsub.f32 v61, v4;
	_ =	sdelay $0x1  }
0x73: {  	v63 =	vsub.f32 v62, v6;
	v3 =	vmul.f32 v3, v58;
	v2 =	vmul.f32 v4, v2;
	_ =	sdelay $0x1  }
0x74: {  	v2 =	vadd.f32 v2, v3;
	v1 =	vmul.f32 v63, v1;
	_ =	sdelay $0x1  }
0x75: {  	v1 =	vadd.f32 v1, v2;
	v2 =	vld [tilespmem:$0x4828];
	_ =	sdelay $0x1  }
0x76: {  	v3 =	vand.u32 $0x80000000, v1;
	vm14 =	vlt.f32 v1, $0.0e+00;
	vm15 =	vgt.f32 v1, $0.0e+00  }
0x77: {  	v3 =	vor.u32 v3, v0;
	vm0 =	vmor vm15, vm14  }
0x78: {  	v1 =	vsel vm0, v3, v1  }
0x79: {  	s20 =	sadd.s32 $0x1, s20;
	v1 =	vmul.f32 v1, v2  }
0x7a: {  	p0 =	sne.s32 s20, s10  }
.Ltmp1:
0x7b: {  	[tilespmem:$0x6028] =	vst v1;
	(pc) =	sbr.rel @p0 .LBB2_1-.Ltmp1, $4  }
0x7c: {  	[hbm4b:s9+s2] =	stream.linear.scatter [tilespmem:s19], [sflag:$0x1], $0xBB8, $0x38;
	[tilespmem:$0x6080] =	vst v63  }
0x7d: {  	_ =	swait.ge [sflag:s13], $0xBB8  }
0x7e: {  	[sflag:s13] =	ssyncset.done $0x0  }
0x7f: {  	[sflag:s13] =	ssyncadd.s32 $0xFFFFF448  }
0x80: {  	_ =	sfence.sel $0x180000  }
0x81: {  	[bflag:$0x0] =	sbarrier.arrive $0xFFFF  }
0x82: {  	p0 =	sne.s32 s0, $0x0;
	_ =	strace $0x90000047  }
0x83: {  	s0 =	sadd.s32 @!p0 $0x100000, s1;
	[bflag:$0x2] =	sbarrier.arrive $0xFFFF  }
0x84: {  	[sflag:s0] =	ssyncadd.tile.s32 @!p0 $0x1;
	_ =	shalt  }
.Lfunc_end2:
_tile_overlayer_lowered:
.L_overlay_start_2:
0x85: {  	(tag) =	ssettag $0x2  }
0x86: {  	s0 =	rddreg [dreg:$0x0];
	s2 =	stileid.u32  }
0x87: {  	s1 =	rddreg [dreg:$0x1];
	p0 =	sne.s32 s2, $0x0  }
0x88: {  	s3 =	rddreg [dreg:$0x2];
	[bflag:$0x3] =	sbarrier.arrive $0xFFFF;
	s2 =	simm.s32 @!p0 $0x1C01  }
0x89: {  	[timem:s3], [sflag:s2] =	dma.local @!p0 [hbm:s0], s1  }
0x8a: {  	s0 =	simm.s32 @!p0 $0x1  }
0x8b: {  	_ =	swait.ge @!p0 [sflag:s0], s1  }
0x8c: {  	s1 =	ssub.s32 @!p0 $0x0, s1;
	[sflag:s0] =	ssyncset.done @!p0 $0x0  }
0x8d: {  	[sflag:s0] =	ssyncadd.s32 @!p0 s1  }
0x8e: {  	[bflag:$0x3] =	sbarrier.arrive $0xFFFF  }
0x8f: {  	_ =	shalt  }

</sc_bundles>
